<compile_context>
chip_gen: v7x
topology: tpu7x:2x2x1
jax: 0.10.2.dev20260603
libtpu: 0.0.44.dev20260713+nightly
codegen_flags: <defaults>
</compile_context>

<pallas_src>
import functools

import jax
import jax.numpy as jnp
from jax import lax
from jax.experimental import pallas as pl
from jax.experimental.pallas import tpu as pltpu
from jax.experimental.pallas import tpu_sc as plsc

N_NODES = 10000
HIDDEN = 128
PRED_CH = 64
N_EDGES = 320000

NC = 2
NS = 16
NW = NC * NS
CHUNK = 128
C_PER_W = 79
E_PAD = NW * C_PER_W * CHUNK
N_ACC = 10240
ROWS_PER_TILE = N_ACC // NS

_sc_mesh = plsc.VectorSubcoreMesh(core_axis_name="c", subcore_axis_name="s")


@functools.partial(
    pl.kernel,
    out_type=jax.ShapeDtypeStruct((NC, N_ACC, HIDDEN), jnp.float32),
    mesh=_sc_mesh,
    scratch_types=[
        pltpu.VMEM((C_PER_W, CHUNK), jnp.int32),
        pltpu.VMEM((C_PER_W, CHUNK), jnp.int32),
        pltpu.VMEM((CHUNK, HIDDEN), jnp.float32),
        pltpu.VMEM_SHARED((N_ACC, HIDDEN), jnp.float32),
        pltpu.SemaphoreType.DMA,
    ],
)
def _sc_segment_sum(x_hbm, src_hbm, dst_hbm, zeros_hbm, out_hbm,
                    src_v, dst_v, rows_v, acc, sem):
    cid = lax.axis_index("c")
    sid = lax.axis_index("s")
    wid = sid * NC + cid
    pltpu.sync_copy(zeros_hbm, acc.at[pl.ds(sid * ROWS_PER_TILE, ROWS_PER_TILE)])
    pltpu.sync_copy(src_hbm.at[wid], src_v)
    pltpu.sync_copy(dst_hbm.at[wid], dst_v)
    plsc.subcore_barrier()

    def body(j, carry):
        pltpu.async_copy(x_hbm.at[src_v.at[j]], rows_v, sem).wait()
        pltpu.sync_copy(rows_v, acc.at[dst_v.at[j]], add=True)
        return carry

    lax.fori_loop(0, C_PER_W, body, 0)
    plsc.subcore_barrier()
    pltpu.sync_copy(acc.at[pl.ds(sid * ROWS_PER_TILE, ROWS_PER_TILE)],
                    out_hbm.at[cid, pl.ds(sid * ROWS_PER_TILE, ROWS_PER_TILE)])


BLK = 1000


def _tc_body(p_ref, u_ref, Wh_ref, Wu_ref, b_ref, Wp_ref, bp_ref, xn_ref, y_ref):
    agg = p_ref[0] + p_ref[1]
    h = jnp.dot(agg, Wh_ref[...], preferred_element_type=jnp.float32)
    h = h + jnp.dot(u_ref[...], Wu_ref[...], preferred_element_type=jnp.float32)
    h = h + b_ref[...]
    xn = jnp.maximum(h, 0.0)
    xn_ref[...] = xn
    y_ref[...] = jnp.dot(xn, Wp_ref[...], preferred_element_type=jnp.float32) + bp_ref[...]


_tc_update = pl.pallas_call(
    _tc_body,
    grid=(N_NODES // BLK,),
    in_specs=[
        pl.BlockSpec((NC, BLK, HIDDEN), lambda i: (0, i, 0)),
        pl.BlockSpec((BLK, HIDDEN), lambda i: (i, 0)),
        pl.BlockSpec((HIDDEN, HIDDEN), lambda i: (0, 0)),
        pl.BlockSpec((HIDDEN, HIDDEN), lambda i: (0, 0)),
        pl.BlockSpec((1, HIDDEN), lambda i: (0, 0)),
        pl.BlockSpec((HIDDEN, PRED_CH), lambda i: (0, 0)),
        pl.BlockSpec((1, PRED_CH), lambda i: (0, 0)),
    ],
    out_specs=[
        pl.BlockSpec((BLK, HIDDEN), lambda i: (i, 0)),
        pl.BlockSpec((BLK, PRED_CH), lambda i: (i, 0)),
    ],
    out_shape=[
        jax.ShapeDtypeStruct((N_NODES, HIDDEN), jnp.float32),
        jax.ShapeDtypeStruct((N_NODES, PRED_CH), jnp.float32),
    ],
)


def kernel(x, u, edge_index, W_h, W_u, b, W_p, b_p):
    src = edge_index[0].astype(jnp.int32)
    dst = edge_index[1].astype(jnp.int32)
    pad = E_PAD - N_EDGES
    src = jnp.concatenate([src, jnp.full((pad,), N_NODES, jnp.int32)])
    dst = jnp.concatenate([dst, jnp.zeros((pad,), jnp.int32)])
    src3 = src.reshape(NW, C_PER_W, CHUNK)
    dst3 = dst.reshape(NW, C_PER_W, CHUNK)
    x_pad = jnp.concatenate([x, jnp.zeros((1, HIDDEN), x.dtype)], axis=0)
    zeros_blk = jnp.zeros((ROWS_PER_TILE, HIDDEN), jnp.float32)

    partial = _sc_segment_sum(x_pad, src3, dst3, zeros_blk)

    x_next, y = _tc_update(partial, u, W_h, W_u, b.reshape(1, HIDDEN),
                           W_p, b_p.reshape(1, PRED_CH))
    return (x_next, y)

# --- scband reference (transcript-rebuilt; emitter-appended) ---
"""Pipeline reference for scband-recurrent-graph-neural-net-73383811220028 (READ-ONLY COPY).

The authoritative reference and input builder live on the scoring server;
editing this copy changes nothing except your own understanding.
"""

import jax, jax.numpy as jnp
import numpy as np

N_NODES = 10000
HIDDEN = 128
NODE_CH = 128
PRED_CH = 64
N_EDGES = 320000


def setup_inputs(seed: int = 0) -> dict:
    key = jax.random.key(seed)
    ks = jax.random.split(key, 8)
    x = jax.random.normal(ks[0], (N_NODES, HIDDEN), dtype=jnp.float32)
    u = jax.random.normal(ks[1], (N_NODES, NODE_CH), dtype=jnp.float32)
    edge_index = jax.random.randint(ks[2], (2, N_EDGES), 0, N_NODES, dtype=jnp.int64)
    # GeneralGraphLayer parameters: W_h mixes aggregated neighbor hidden state,
    # W_u injects base node features, b is bias (Gu 2017, eq. 1 style update).
    W_h = jax.random.normal(ks[3], (HIDDEN, HIDDEN), dtype=jnp.float32) * (1.0 / np.sqrt(HIDDEN))
    W_u = jax.random.normal(ks[4], (NODE_CH, HIDDEN), dtype=jnp.float32) * (1.0 / np.sqrt(NODE_CH))
    b = jnp.zeros((HIDDEN,), dtype=jnp.float32)
    # prediction head (nn.Linear)
    W_p = jax.random.normal(ks[5], (HIDDEN, PRED_CH), dtype=jnp.float32) * (1.0 / np.sqrt(HIDDEN))
    b_p = jnp.zeros((PRED_CH,), dtype=jnp.float32)
    return {"x": x, "u": u, "edge_index": edge_index,
            "W_h": W_h, "W_u": W_u, "b": b, "W_p": W_p, "b_p": b_p}


def reference(x, u, edge_index, W_h, W_u, b, W_p, b_p):
    src = edge_index[0]
    dst = edge_index[1]
    # message passing: gather hidden states of source nodes, scatter-add to target nodes
    msgs = jnp.take(x, src, axis=0)                       # gather [E, HIDDEN]
    agg = jax.ops.segment_sum(msgs, dst, num_segments=N_NODES)  # scatter-add [N, HIDDEN]
    # recurrent update: next hidden state from aggregated neighbors + base node features
    x_next = jax.nn.relu(agg @ W_h + u @ W_u + b)
    # prediction head
    y = x_next @ W_p + b_p
    return (x_next, y)

if __name__ == "__main__":
    import jax
    _d = setup_inputs()
    print(jax.jit(kernel)(*tuple(_d.values())))

</pallas_src>

<mosaic_0001>
#map = affine_map<(d0, d1) -> (0, 0)>
#map1 = affine_map<(d0, d1) -> (0, 0, 0)>
module attributes {stable_mosaic.version = 14 : i64} {
  func.func @_sc_segment_sum(%arg0: i32, %arg1: i32, %arg2: memref<10001x128xf32, #tpu.memory_space<hbm>>, %arg3: memref<32x79x128xi32, #tpu.memory_space<hbm>>, %arg4: memref<32x79x128xi32, #tpu.memory_space<hbm>>, %arg5: memref<640x128xf32, #tpu.memory_space<hbm>>, %arg6: memref<2x10240x128xf32, #tpu.memory_space<hbm>>, %arg7: memref<79x128xi32, #tpu.memory_space<vmem>>, %arg8: memref<79x128xi32, #tpu.memory_space<vmem>>, %arg9: memref<128x128xf32, #tpu.memory_space<vmem>>, %arg10: memref<10240x128xf32, #tpu.memory_space<vmem_shared>>, %arg11: memref<!tpu.dma_semaphore, #tpu.memory_space<semaphore_mem>>) attributes {dimension_semantics = [#tpu.dimension_semantics<core_parallel>, #tpu.dimension_semantics<subcore_parallel>], iteration_bounds = array<i64: 2, 16>, scalar_prefetch = 0 : i64, scratch_operands = 5 : i64, tpu.core_type = #tpu.core_type<sc_vector_subcore>, window_params = [{transform_indices = #map}, {transform_indices = #map1}, {transform_indices = #map1}, {transform_indices = #map}, {transform_indices = #map1}]} {
    %mul3A = arith.constant 2 : i32
    %mul3A_0 = arith.muli %arg1, %mul3A : i32
    %add3A = arith.addi %mul3A_0, %arg0 : i32
    %mul3A_1 = arith.constant 640 : i32
    %mul3A_2 = arith.muli %arg1, %mul3A_1 : i32
    "tpu.region"() ({
      %run_scoped3A = tpu.sem_alloc : memref<!tpu.dma_semaphore, #tpu.memory_space<semaphore_mem>>
      %dma_start3A = arith.constant 0 : i32
      %dma_start3A_13 = tpu.memref_slice %arg10[%mul3A_2, %dma_start3A] : memref<10240x128xf32, #tpu.memory_space<vmem_shared>> -> memref<640x128xf32, #tpu.memory_space<vmem_shared>>
      tpu.enqueue_dma source(%arg5 : memref<640x128xf32, #tpu.memory_space<hbm>>) target(%dma_start3A_13 : memref<640x128xf32, #tpu.memory_space<vmem_shared>>) target_semaphore(%run_scoped3A : memref<!tpu.dma_semaphore, #tpu.memory_space<semaphore_mem>>)
      %dma_wait3A = arith.constant 0 : i32
      %dma_wait3A_14 = tpu.memref_slice %arg10[%mul3A_2, %dma_wait3A] : memref<10240x128xf32, #tpu.memory_space<vmem_shared>> -> memref<640x128xf32, #tpu.memory_space<vmem_shared>>
      tpu.wait_dma2 semaphore(%run_scoped3A : memref<!tpu.dma_semaphore, #tpu.memory_space<semaphore_mem>>) src(%arg5 : memref<640x128xf32, #tpu.memory_space<hbm>>) dst(%dma_wait3A_14 : memref<640x128xf32, #tpu.memory_space<vmem_shared>>)
      tpu.yield
    }) : () -> ()
    "tpu.region"() ({
      %run_scoped3A = tpu.sem_alloc : memref<!tpu.dma_semaphore, #tpu.memory_space<semaphore_mem>>
      %dma_start3A = arith.constant 0 : i32
      %dma_start3A_13 = arith.constant 0 : i32
      %dma_start3A_14 = tpu.memref_slice %arg3[%add3A, %dma_start3A, %dma_start3A_13] : memref<32x79x128xi32, #tpu.memory_space<hbm>> -> memref<1x79x128xi32, #tpu.memory_space<hbm>>
      %dma_start3A_15 = tpu.memref_squeeze %dma_start3A_14 : memref<1x79x128xi32, #tpu.memory_space<hbm>> -> memref<79x128xi32, #tpu.memory_space<hbm>>
      %dma_start3A_16 = arith.constant 0 : i32
      %dma_start3A_17 = arith.constant 0 : i32
      %dma_start3A_18 = tpu.memref_slice %arg3[%add3A, %dma_start3A_16, %dma_start3A_17] : memref<32x79x128xi32, #tpu.memory_space<hbm>> -> memref<1x79x128xi32, #tpu.memory_space<hbm>>
      %dma_start3A_19 = tpu.memref_squeeze %dma_start3A_18 : memref<1x79x128xi32, #tpu.memory_space<hbm>> -> memref<79x128xi32, #tpu.memory_space<hbm>>
      tpu.enqueue_dma source(%dma_start3A_19 : memref<79x128xi32, #tpu.memory_space<hbm>>) target(%arg7 : memref<79x128xi32, #tpu.memory_space<vmem>>) target_semaphore(%run_scoped3A : memref<!tpu.dma_semaphore, #tpu.memory_space<semaphore_mem>>)
      %dma_wait3A = arith.constant 0 : i32
      %dma_wait3A_20 = arith.constant 0 : i32
      %dma_wait3A_21 = tpu.memref_slice %arg3[%add3A, %dma_wait3A, %dma_wait3A_20] : memref<32x79x128xi32, #tpu.memory_space<hbm>> -> memref<1x79x128xi32, #tpu.memory_space<hbm>>
      %dma_wait3A_22 = tpu.memref_squeeze %dma_wait3A_21 : memref<1x79x128xi32, #tpu.memory_space<hbm>> -> memref<79x128xi32, #tpu.memory_space<hbm>>
      %dma_wait3A_23 = arith.constant 0 : i32
      %dma_wait3A_24 = arith.constant 0 : i32
      %dma_wait3A_25 = tpu.memref_slice %arg3[%add3A, %dma_wait3A_23, %dma_wait3A_24] : memref<32x79x128xi32, #tpu.memory_space<hbm>> -> memref<1x79x128xi32, #tpu.memory_space<hbm>>
      %dma_wait3A_26 = tpu.memref_squeeze %dma_wait3A_25 : memref<1x79x128xi32, #tpu.memory_space<hbm>> -> memref<79x128xi32, #tpu.memory_space<hbm>>
      tpu.wait_dma2 semaphore(%run_scoped3A : memref<!tpu.dma_semaphore, #tpu.memory_space<semaphore_mem>>) src(%dma_wait3A_26 : memref<79x128xi32, #tpu.memory_space<hbm>>) dst(%arg7 : memref<79x128xi32, #tpu.memory_space<vmem>>)
      tpu.yield
    }) : () -> ()
    "tpu.region"() ({
      %run_scoped3A = tpu.sem_alloc : memref<!tpu.dma_semaphore, #tpu.memory_space<semaphore_mem>>
      %dma_start3A = arith.constant 0 : i32
      %dma_start3A_13 = arith.constant 0 : i32
      %dma_start3A_14 = tpu.memref_slice %arg4[%add3A, %dma_start3A, %dma_start3A_13] : memref<32x79x128xi32, #tpu.memory_space<hbm>> -> memref<1x79x128xi32, #tpu.memory_space<hbm>>
      %dma_start3A_15 = tpu.memref_squeeze %dma_start3A_14 : memref<1x79x128xi32, #tpu.memory_space<hbm>> -> memref<79x128xi32, #tpu.memory_space<hbm>>
      %dma_start3A_16 = arith.constant 0 : i32
      %dma_start3A_17 = arith.constant 0 : i32
      %dma_start3A_18 = tpu.memref_slice %arg4[%add3A, %dma_start3A_16, %dma_start3A_17] : memref<32x79x128xi32, #tpu.memory_space<hbm>> -> memref<1x79x128xi32, #tpu.memory_space<hbm>>
      %dma_start3A_19 = tpu.memref_squeeze %dma_start3A_18 : memref<1x79x128xi32, #tpu.memory_space<hbm>> -> memref<79x128xi32, #tpu.memory_space<hbm>>
      tpu.enqueue_dma source(%dma_start3A_19 : memref<79x128xi32, #tpu.memory_space<hbm>>) target(%arg8 : memref<79x128xi32, #tpu.memory_space<vmem>>) target_semaphore(%run_scoped3A : memref<!tpu.dma_semaphore, #tpu.memory_space<semaphore_mem>>)
      %dma_wait3A = arith.constant 0 : i32
      %dma_wait3A_20 = arith.constant 0 : i32
      %dma_wait3A_21 = tpu.memref_slice %arg4[%add3A, %dma_wait3A, %dma_wait3A_20] : memref<32x79x128xi32, #tpu.memory_space<hbm>> -> memref<1x79x128xi32, #tpu.memory_space<hbm>>
      %dma_wait3A_22 = tpu.memref_squeeze %dma_wait3A_21 : memref<1x79x128xi32, #tpu.memory_space<hbm>> -> memref<79x128xi32, #tpu.memory_space<hbm>>
      %dma_wait3A_23 = arith.constant 0 : i32
      %dma_wait3A_24 = arith.constant 0 : i32
      %dma_wait3A_25 = tpu.memref_slice %arg4[%add3A, %dma_wait3A_23, %dma_wait3A_24] : memref<32x79x128xi32, #tpu.memory_space<hbm>> -> memref<1x79x128xi32, #tpu.memory_space<hbm>>
      %dma_wait3A_26 = tpu.memref_squeeze %dma_wait3A_25 : memref<1x79x128xi32, #tpu.memory_space<hbm>> -> memref<79x128xi32, #tpu.memory_space<hbm>>
      tpu.wait_dma2 semaphore(%run_scoped3A : memref<!tpu.dma_semaphore, #tpu.memory_space<semaphore_mem>>) src(%dma_wait3A_26 : memref<79x128xi32, #tpu.memory_space<hbm>>) dst(%arg8 : memref<79x128xi32, #tpu.memory_space<vmem>>)
      tpu.yield
    }) : () -> ()
    %barrier3A = arith.constant 0 : index
    tpu.barrier barrier_id(%barrier3A)
    %scan3A = arith.constant 0 : i32
    %scan3A_3 = arith.constant 0 : i32
    %scan3A_4 = arith.constant 79 : i32
    %scan3A_5 = arith.addi %scan3A_3, %scan3A_4 : i32
    %scan3A_6 = arith.constant 1 : i32
    scf.for %scan3A_13 = %scan3A_3 to %scan3A_5 step %scan3A_6  : i32 {
      %dma_start3A = arith.constant 0 : i32
      %dma_start3A_14 = tpu.memref_slice %arg7[%scan3A_13, %dma_start3A] : memref<79x128xi32, #tpu.memory_space<vmem>> -> memref<1x128xi32, #tpu.memory_space<vmem>>
      %dma_start3A_15 = tpu.memref_squeeze %dma_start3A_14 : memref<1x128xi32, #tpu.memory_space<vmem>> -> memref<128xi32, #tpu.memory_space<vmem>>
      %dma_start3A_16 = arith.constant 0 : i32
      %dma_start3A_17 = arith.constant 0 : i32
      %dma_start3A_18 = tpu.memref_slice %arg2[%dma_start3A_16, %dma_start3A_17] : memref<10001x128xf32, #tpu.memory_space<hbm>> -> memref<10001x128xf32, #tpu.memory_space<hbm>>
      tpu.enqueue_indirect_dma source(%dma_start3A_18 : memref<10001x128xf32, #tpu.memory_space<hbm>>) target(%arg9 : memref<128x128xf32, #tpu.memory_space<vmem>>) offsets(%dma_start3A_15 : memref<128xi32, #tpu.memory_space<vmem>>) semaphore(%arg11 : memref<!tpu.dma_semaphore, #tpu.memory_space<semaphore_mem>>)
      %dma_wait3A = arith.constant 0 : i32
      %dma_wait3A_19 = tpu.memref_slice %arg7[%scan3A_13, %dma_wait3A] : memref<79x128xi32, #tpu.memory_space<vmem>> -> memref<1x128xi32, #tpu.memory_space<vmem>>
      %dma_wait3A_20 = tpu.memref_squeeze %dma_wait3A_19 : memref<1x128xi32, #tpu.memory_space<vmem>> -> memref<128xi32, #tpu.memory_space<vmem>>
      %dma_wait3A_21 = arith.constant 0 : i32
      %dma_wait3A_22 = arith.constant 0 : i32
      %dma_wait3A_23 = tpu.memref_slice %arg2[%dma_wait3A_21, %dma_wait3A_22] : memref<10001x128xf32, #tpu.memory_space<hbm>> -> memref<10001x128xf32, #tpu.memory_space<hbm>>
      tpu.wait_indirect_dma semaphore(%arg11 : memref<!tpu.dma_semaphore, #tpu.memory_space<semaphore_mem>>) src(%dma_wait3A_23 : memref<10001x128xf32, #tpu.memory_space<hbm>>) dst(%arg9 : memref<128x128xf32, #tpu.memory_space<vmem>>)
      "tpu.region"() ({
        %run_scoped3A = tpu.sem_alloc : memref<!tpu.dma_semaphore, #tpu.memory_space<semaphore_mem>>
        %dma_start3A_24 = arith.constant 0 : i32
        %dma_start3A_25 = tpu.memref_slice %arg8[%scan3A_13, %dma_start3A_24] : memref<79x128xi32, #tpu.memory_space<vmem>> -> memref<1x128xi32, #tpu.memory_space<vmem>>
        %dma_start3A_26 = tpu.memref_squeeze %dma_start3A_25 : memref<1x128xi32, #tpu.memory_space<vmem>> -> memref<128xi32, #tpu.memory_space<vmem>>
        %dma_start3A_27 = arith.constant 0 : i32
        %dma_start3A_28 = arith.constant 0 : i32
        %dma_start3A_29 = tpu.memref_slice %arg10[%dma_start3A_27, %dma_start3A_28] : memref<10240x128xf32, #tpu.memory_space<vmem_shared>> -> memref<10240x128xf32, #tpu.memory_space<vmem_shared>>
        tpu.enqueue_indirect_dma source(%arg9 : memref<128x128xf32, #tpu.memory_space<vmem>>) target(%dma_start3A_29 : memref<10240x128xf32, #tpu.memory_space<vmem_shared>>) offsets(%dma_start3A_26 : memref<128xi32, #tpu.memory_space<vmem>>) semaphore(%run_scoped3A : memref<!tpu.dma_semaphore, #tpu.memory_space<semaphore_mem>>) {add = true}
        %dma_wait3A_30 = arith.constant 0 : i32
        %dma_wait3A_31 = tpu.memref_slice %arg8[%scan3A_13, %dma_wait3A_30] : memref<79x128xi32, #tpu.memory_space<vmem>> -> memref<1x128xi32, #tpu.memory_space<vmem>>
        %dma_wait3A_32 = tpu.memref_squeeze %dma_wait3A_31 : memref<1x128xi32, #tpu.memory_space<vmem>> -> memref<128xi32, #tpu.memory_space<vmem>>
        %dma_wait3A_33 = arith.constant 0 : i32
        %dma_wait3A_34 = arith.constant 0 : i32
        %dma_wait3A_35 = tpu.memref_slice %arg10[%dma_wait3A_33, %dma_wait3A_34] : memref<10240x128xf32, #tpu.memory_space<vmem_shared>> -> memref<10240x128xf32, #tpu.memory_space<vmem_shared>>
        tpu.wait_indirect_dma semaphore(%run_scoped3A : memref<!tpu.dma_semaphore, #tpu.memory_space<semaphore_mem>>) src(%arg9 : memref<128x128xf32, #tpu.memory_space<vmem>>) dst(%dma_wait3A_35 : memref<10240x128xf32, #tpu.memory_space<vmem_shared>>)
        tpu.yield
      }) : () -> ()
    }
    %scan3A_7 = arith.constant 79 : i32
    %barrier3A_8 = arith.constant 0 : index
    tpu.barrier barrier_id(%barrier3A_8)
    %mul3A_9 = arith.constant 640 : i32
    %mul3A_10 = arith.muli %arg1, %mul3A_9 : i32
    %mul3A_11 = arith.constant 640 : i32
    %mul3A_12 = arith.muli %arg1, %mul3A_11 : i32
    "tpu.region"() ({
      %run_scoped3A = tpu.sem_alloc : memref<!tpu.dma_semaphore, #tpu.memory_space<semaphore_mem>>
      %dma_start3A = arith.constant 0 : i32
      %dma_start3A_13 = tpu.memref_slice %arg6[%arg0, %mul3A_12, %dma_start3A] : memref<2x10240x128xf32, #tpu.memory_space<hbm>> -> memref<1x640x128xf32, #tpu.memory_space<hbm>>
      %dma_start3A_14 = tpu.memref_squeeze %dma_start3A_13 : memref<1x640x128xf32, #tpu.memory_space<hbm>> -> memref<640x128xf32, #tpu.memory_space<hbm>>
      %dma_start3A_15 = arith.constant 0 : i32
      %dma_start3A_16 = tpu.memref_slice %arg10[%mul3A_10, %dma_start3A_15] : memref<10240x128xf32, #tpu.memory_space<vmem_shared>> -> memref<640x128xf32, #tpu.memory_space<vmem_shared>>
      tpu.enqueue_dma source(%dma_start3A_16 : memref<640x128xf32, #tpu.memory_space<vmem_shared>>) target(%dma_start3A_14 : memref<640x128xf32, #tpu.memory_space<hbm>>) target_semaphore(%run_scoped3A : memref<!tpu.dma_semaphore, #tpu.memory_space<semaphore_mem>>)
      %dma_wait3A = arith.constant 0 : i32
      %dma_wait3A_17 = tpu.memref_slice %arg6[%arg0, %mul3A_12, %dma_wait3A] : memref<2x10240x128xf32, #tpu.memory_space<hbm>> -> memref<1x640x128xf32, #tpu.memory_space<hbm>>
      %dma_wait3A_18 = tpu.memref_squeeze %dma_wait3A_17 : memref<1x640x128xf32, #tpu.memory_space<hbm>> -> memref<640x128xf32, #tpu.memory_space<hbm>>
      %dma_wait3A_19 = arith.constant 0 : i32
      %dma_wait3A_20 = tpu.memref_slice %arg10[%mul3A_10, %dma_wait3A_19] : memref<10240x128xf32, #tpu.memory_space<vmem_shared>> -> memref<640x128xf32, #tpu.memory_space<vmem_shared>>
      tpu.wait_dma2 semaphore(%run_scoped3A : memref<!tpu.dma_semaphore, #tpu.memory_space<semaphore_mem>>) src(%dma_wait3A_20 : memref<640x128xf32, #tpu.memory_space<vmem_shared>>) dst(%dma_wait3A_18 : memref<640x128xf32, #tpu.memory_space<hbm>>)
      tpu.yield
    }) : () -> ()
    return
  }
}

module attributes {stable_mosaic.version = 14 : i64} {
  func.func @_tc_body(%arg0: i32, %arg1: memref<2x1000x128xf32, #tpu.memory_space<vmem>>, %arg2: memref<1000x128xf32, #tpu.memory_space<vmem>>, %arg3: memref<128x128xf32, #tpu.memory_space<vmem>>, %arg4: memref<128x128xf32, #tpu.memory_space<vmem>>, %arg5: memref<1x128xf32, #tpu.memory_space<vmem>>, %arg6: memref<128x64xf32, #tpu.memory_space<vmem>>, %arg7: memref<1x64xf32, #tpu.memory_space<vmem>>, %arg8: memref<1000x128xf32, #tpu.memory_space<vmem>>, %arg9: memref<1000x64xf32, #tpu.memory_space<vmem>>) attributes {dimension_semantics = [#tpu.dimension_semantics<arbitrary>], iteration_bounds = array<i64: 10>, scalar_prefetch = 0 : i64, scratch_operands = 0 : i64, tpu.core_type = #tpu.core_type<tc>, window_params = [{transform_indices = @transform_0, window_bounds = array<i64: 2, 1000, 128>}, {transform_indices = @transform_1, window_bounds = array<i64: 1000, 128>}, {pipeline_mode = #tpu.pipeline_mode<synchronous>, transform_indices = @transform_2, window_bounds = array<i64: 128, 128>}, {pipeline_mode = #tpu.pipeline_mode<synchronous>, transform_indices = @transform_3, window_bounds = array<i64: 128, 128>}, {pipeline_mode = #tpu.pipeline_mode<synchronous>, transform_indices = @transform_4, window_bounds = array<i64: 1, 128>}, {pipeline_mode = #tpu.pipeline_mode<synchronous>, transform_indices = @transform_5, window_bounds = array<i64: 128, 64>}, {pipeline_mode = #tpu.pipeline_mode<synchronous>, transform_indices = @transform_6, window_bounds = array<i64: 1, 64>}, {transform_indices = @transform_7, window_bounds = array<i64: 1000, 128>}, {transform_indices = @transform_8, window_bounds = array<i64: 1000, 64>}]} {
    %get3A = arith.constant 0 : index
    %get3A_0 = arith.constant 0 : index
    %get3A_1 = arith.constant 0 : index
    %get3A_2 = vector.load %arg1[%get3A, %get3A_0, %get3A_1] : memref<2x1000x128xf32, #tpu.memory_space<vmem>>, vector<1x1000x128xf32>
    %get3A_3 = vector.shape_cast %get3A_2 : vector<1x1000x128xf32> to vector<1000x128xf32>
    %get3A_4 = arith.constant 1 : index
    %get3A_5 = arith.constant 0 : index
    %get3A_6 = arith.constant 0 : index
    %get3A_7 = vector.load %arg1[%get3A_4, %get3A_5, %get3A_6] : memref<2x1000x128xf32, #tpu.memory_space<vmem>>, vector<1x1000x128xf32>
    %get3A_8 = vector.shape_cast %get3A_7 : vector<1x1000x128xf32> to vector<1000x128xf32>
    %add3A = arith.addf %get3A_3, %get3A_8 : vector<1000x128xf32>
    %get3A_9 = arith.constant 0 : index
    %get3A_10 = arith.constant 0 : index
    %get3A_11 = vector.load %arg3[%get3A_9, %get3A_10] : memref<128x128xf32, #tpu.memory_space<vmem>>, vector<128x128xf32>
    %dot_general3A = arith.constant dense<0.000000e+00> : vector<1000x128xf32>
    %dot_general3A_12 = tpu.matmul %add3A, %get3A_11, %dot_general3A {dimension_numbers = #tpu.dot_dimension_numbers<[1], [0], [0], [1], [0, 0, 1, 1], [], []>, transpose_lhs_hint = false} : vector<1000x128xf32>, vector<128x128xf32>, vector<1000x128xf32> -> vector<1000x128xf32>
    %get3A_13 = arith.constant 0 : index
    %get3A_14 = arith.constant 0 : index
    %get3A_15 = vector.load %arg2[%get3A_13, %get3A_14] : memref<1000x128xf32, #tpu.memory_space<vmem>>, vector<1000x128xf32>
    %get3A_16 = arith.constant 0 : index
    %get3A_17 = arith.constant 0 : index
    %get3A_18 = vector.load %arg4[%get3A_16, %get3A_17] : memref<128x128xf32, #tpu.memory_space<vmem>>, vector<128x128xf32>
    %dot_general3A_19 = arith.constant dense<0.000000e+00> : vector<1000x128xf32>
    %dot_general3A_20 = tpu.matmul %get3A_15, %get3A_18, %dot_general3A_19 {dimension_numbers = #tpu.dot_dimension_numbers<[1], [0], [0], [1], [0, 0, 1, 1], [], []>, transpose_lhs_hint = false} : vector<1000x128xf32>, vector<128x128xf32>, vector<1000x128xf32> -> vector<1000x128xf32>
    %add3A_21 = arith.addf %dot_general3A_12, %dot_general3A_20 : vector<1000x128xf32>
    %get3A_22 = arith.constant 0 : index
    %get3A_23 = arith.constant 0 : index
    %get3A_24 = vector.load %arg5[%get3A_22, %get3A_23] : memref<1x128xf32, #tpu.memory_space<vmem>>, vector<1x128xf32>
    %add3A_25 = vector.broadcast %get3A_24 : vector<1x128xf32> to vector<1000x128xf32>
    %add3A_26 = arith.addf %add3A_21, %add3A_25 : vector<1000x128xf32>
    %max3A = arith.constant 0.000000e+00 : f32
    %max3A_27 = vector.broadcast %max3A : f32 to vector<1000x128xf32>
    %max3A_28 = arith.maximumf %add3A_26, %max3A_27 : vector<1000x128xf32>
    %swap3A = arith.constant 0 : index
    %swap3A_29 = arith.constant 0 : index
    %swap3A_30 = vector.load %arg8[%swap3A, %swap3A_29] : memref<1000x128xf32, #tpu.memory_space<vmem>>, vector<1000x128xf32>
    tpu.vector_store %arg8[%swap3A, %swap3A_29], %max3A_28 {strides = array<i32>} : memref<1000x128xf32, #tpu.memory_space<vmem>>, vector<1000x128xf32>,
    %get3A_31 = arith.constant 0 : index
    %get3A_32 = arith.constant 0 : index
    %get3A_33 = vector.load %arg6[%get3A_31, %get3A_32] : memref<128x64xf32, #tpu.memory_space<vmem>>, vector<128x64xf32>
    %dot_general3A_34 = arith.constant dense<0.000000e+00> : vector<1000x64xf32>
    %dot_general3A_35 = tpu.matmul %max3A_28, %get3A_33, %dot_general3A_34 {dimension_numbers = #tpu.dot_dimension_numbers<[1], [0], [0], [1], [0, 0, 1, 1], [], []>, transpose_lhs_hint = false} : vector<1000x128xf32>, vector<128x64xf32>, vector<1000x64xf32> -> vector<1000x64xf32>
    %get3A_36 = arith.constant 0 : index
    %get3A_37 = arith.constant 0 : index
    %get3A_38 = vector.load %arg7[%get3A_36, %get3A_37] : memref<1x64xf32, #tpu.memory_space<vmem>>, vector<1x64xf32>
    %add3A_39 = vector.broadcast %get3A_38 : vector<1x64xf32> to vector<1000x64xf32>
    %add3A_40 = arith.addf %dot_general3A_35, %add3A_39 : vector<1000x64xf32>
    %swap3A_41 = arith.constant 0 : index
    %swap3A_42 = arith.constant 0 : index
    %swap3A_43 = vector.load %arg9[%swap3A_41, %swap3A_42] : memref<1000x64xf32, #tpu.memory_space<vmem>>, vector<1000x64xf32>
    tpu.vector_store %arg9[%swap3A_41, %swap3A_42], %add3A_40 {strides = array<i32>} : memref<1000x64xf32, #tpu.memory_space<vmem>>, vector<1000x64xf32>,
    return
  }
  func.func @transform_0(%arg0: i32) -> (i32, i32, i32) {
    %c0_i32 = arith.constant 0 : i32
    %c0_i32_0 = arith.constant 0 : i32
    %c0_i32_1 = arith.constant 0 : i32
    return %c0_i32, %arg0, %c0_i32_0 : i32, i32, i32
  }
  func.func @transform_1(%arg0: i32) -> (i32, i32) {
    %c0_i32 = arith.constant 0 : i32
    %c0_i32_0 = arith.constant 0 : i32
    return %arg0, %c0_i32 : i32, i32
  }
  func.func @transform_2(%arg0: i32) -> (i32, i32) {
    %c0_i32 = arith.constant 0 : i32
    %c0_i32_0 = arith.constant 0 : i32
    %c0_i32_1 = arith.constant 0 : i32
    return %c0_i32, %c0_i32_0 : i32, i32
  }
  func.func @transform_3(%arg0: i32) -> (i32, i32) {
    %c0_i32 = arith.constant 0 : i32
    %c0_i32_0 = arith.constant 0 : i32
    %c0_i32_1 = arith.constant 0 : i32
    return %c0_i32, %c0_i32_0 : i32, i32
  }
  func.func @transform_4(%arg0: i32) -> (i32, i32) {
    %c0_i32 = arith.constant 0 : i32
    %c0_i32_0 = arith.constant 0 : i32
    %c0_i32_1 = arith.constant 0 : i32
    return %c0_i32, %c0_i32_0 : i32, i32
  }
  func.func @transform_5(%arg0: i32) -> (i32, i32) {
    %c0_i32 = arith.constant 0 : i32
    %c0_i32_0 = arith.constant 0 : i32
    %c0_i32_1 = arith.constant 0 : i32
    return %c0_i32, %c0_i32_0 : i32, i32
  }
  func.func @transform_6(%arg0: i32) -> (i32, i32) {
    %c0_i32 = arith.constant 0 : i32
    %c0_i32_0 = arith.constant 0 : i32
    %c0_i32_1 = arith.constant 0 : i32
    return %c0_i32, %c0_i32_0 : i32, i32
  }
  func.func @transform_7(%arg0: i32) -> (i32, i32) {
    %c0_i32 = arith.constant 0 : i32
    %c0_i32_0 = arith.constant 0 : i32
    return %arg0, %c0_i32 : i32, i32
  }
  func.func @transform_8(%arg0: i32) -> (i32, i32) {
    %c0_i32 = arith.constant 0 : i32
    %c0_i32_0 = arith.constant 0 : i32
    return %arg0, %c0_i32 : i32, i32
  }
}

</mosaic_0001>

<sc_bundles>
// kernel: kernel.4.cloned.1.call-start
scs
__scs_entry_jumppad:
0x0: {  	(pc) =	sbr.rel $0x88, $3  }
0x1: {  	(tag) =	ssettag $0x0;
	lr =	simm.s32 $0x1  }
0x2: {  	[smem:$0x3F99] =	sst lr;
	_ =	strace $0xD0000000  }
0x3: {  	_ = 	snop  }
0x4: {  	_ = 	snop  }
0x5: {  	_ = 	snop  }
0x6: {  	_ = 	snop  }
0x7: {  	_ = 	snop  }
__scs_overlays_trampoline_lowered:
0x8: {  	[smem:$0x3FA8] =	sst s0  }
0x9: {  	[smem:$0x3FA9] =	sst s1  }
0xa: {  	[smem:$0x3FAA] =	sst s2  }
0xb: {  	[smem:$0x3FAB] =	sst s3  }
0xc: {  	[smem:$0x3FAC] =	sst s4  }
0xd: {  	[smem:$0x3FAD] =	sst s5  }
0xe: {  	[smem:$0x3FAE] =	sst s6  }
0xf: {  	[smem:$0x3FAF] =	sst s7  }
0x10: {  	[smem:$0x3FB0] =	sst s8  }
0x11: {  	[smem:$0x3FB1] =	sst s9;
	s0 =	simm.s32 @!p0 $0x0  }
0x12: {  	s1 =	sld [smem:$0x3F97];
	s0 =	simm.s32 @p0 $0x1  }
0x13: {  	[smem:$0x3FB2] =	sst s0;
	s0 =	simm.s32 @!p1 $0x0  }
0x14: {  	s2 =	sld [smem:$0x3F96];
	s0 =	simm.s32 @p1 $0x1  }
0x15: {  	[smem:$0x3FB3] =	sst s0;
	s0 =	simm.s32 @!p2 $0x0  }
0x16: {  	s3 =	sld [smem:$0x3FDB];
	s0 =	simm.s32 @p2 $0x1  }
0x17: {  	s4 =	simm.s32 $0x1BF5;
	[smem:$0x3FB5] =	sst s0  }
0x18: {  	s0 =	sld [smem:$0x3F98];
	_ =	swait.ge [sflag:s4], $0x0  }
0x19: {  	s7 =	sld [smem:$0x3F99]  }
0x1a: {  	s8 =	sadd.s32 $0xFFFFE003, lr  }
0x1b: {  	s9 =	sadd.s32 $0xFFFFFEF7, lr;
	s5 =	simm.s32 $0xFFFFFFFF;
	p2 =	slt.u32 s8, $0xFFFFF086  }
0x1c: {  	p1 =	slt.u32 s9, $0xF7A;
	s5 =	simm.s32 @!p2 $0x0  }
0x1d: {  	s5 =	simm.s32 @p1 $0x1;
	p0 =	seq.s32 s7, s2  }
0x1e: {  	s7 =	smul.u32 @!p0 $0xF7A, s2;
	p2 =	seq.s32 @!p0 s5, $0x0  }
0x1f: {  	s9 =	smul.u32 $0xF7A, s1;
	s8 =	simm.s32 @!p0 $0x1BF5;
	p2 =	por !p2, p0  }
0x20: {  	[sflag:s8] =	ssyncset.s32 @!p0 $0xFFFFF086;
	s6 =	sadd.s32 @!p0 s3, s7;
	s7 =	simm.s32 @!p0 $0x108  }
0x21: {  	s3 =	sadd.s32 s3, s9;
	s6 =	sadd.s32 @!p0 $0x88, s6;
	s7 =	simm.s32 @p2 $0x1082  }
0x22: {  	[simem:s7], [sflag:s8] =	dma.local @!p0 [hbm:s6], $0xF7A  }
0x23: {  	s9 =	sor.u32 $0xD0000000, s2;
	s6 =	simm.s32 $0x108;
	_ =	swait.ge @!p0 [sflag:s8], $0x0  }
0x24: {  	s3 =	sadd.s32 $0x88, s3;
	s6 =	simm.s32 @!p1 $0x1082;
	[sflag:s4] =	ssyncset.s32 $0xFFFFF086  }
0x25: {  	[simem:s6], [sflag:s4] =	dma.local [hbm:s3], $0xF7A  }
0x26: {  	[smem:$0x3F99] =	sst s1;
	(tag) =	ssettag s2;
	_ =	strace s9  }
0x27: {  	s1 =	sld [smem:$0x3FA9]  }
0x28: {  	s2 =	sld [smem:$0x3FAA]  }
0x29: {  	s4 =	sld [smem:$0x3FAC]  }
0x2a: {  	p0 =	seq.s32 s5, $0x0;
	s5 =	sld [smem:$0x3FAD]  }
0x2b: {  	s6 =	sld [smem:$0x3FAE]  }
0x2c: {  	s7 =	sld [smem:$0x3FAF]  }
0x2d: {  	s3 =	simm.s32 $0x108;
	s8 =	sld [smem:$0x3FB0]  }
0x2e: {  	s3 =	simm.s32 @!p0 $0x1082;
	s9 =	sld [smem:$0x3FB1]  }
0x2f: {  	lr =	sadd.s32 s0, s3;
	s0 =	sld [smem:$0x3FA8]  }
0x30: {  	s3 =	sld [smem:$0x3FAB]  }
0x31: {  	[smem:$0x3FB4] =	sst s10  }
0x32: {  	s10 =	sld [smem:$0x3FB2];
	_ =	sdelay $0x3  }
0x33: {  	p0 =	seq.s32 s10, $0x1;
	s10 =	sld [smem:$0x3FB4];
	_ =	sdelay $0x3  }
0x34: {  	[smem:$0x3FB4] =	sst s10  }
0x35: {  	s10 =	sld [smem:$0x3FB3];
	_ =	sdelay $0x3  }
0x36: {  	p1 =	seq.s32 s10, $0x1;
	s10 =	sld [smem:$0x3FB4];
	_ =	sdelay $0x3  }
0x37: {  	[smem:$0x3FB4] =	sst s10  }
0x38: {  	s10 =	sld [smem:$0x3FB5]  }
0x39: {  	_ = 	snop;
	(pc) =	sbr.ind lr, $3  }
0x3a: {  	_ = 	snop  }
0x3b: {  	_ = 	snop  }
0x3c: {  	p2 =	seq.s32 s10, $0x1;
	s10 =	sld [smem:$0x3FB4]  }
0x3d: {  	_ =	shalt  }
0x3e: {  	_ =	shalt  }
0x3f: {  	_ =	shalt  }
0x40: {  	_ =	shalt  }
0x41: {  	_ =	shalt  }
0x42: {  	_ =	shalt  }
0x43: {  	_ =	shalt  }
0x44: {  	_ =	shalt  }
0x45: {  	_ =	shalt  }
0x46: {  	_ =	shalt  }
0x47: {  	_ =	shalt  }
0x48: {  	_ =	shalt  }
0x49: {  	_ =	shalt  }
0x4a: {  	_ =	shalt  }
0x4b: {  	_ =	shalt  }
0x4c: {  	_ =	shalt  }
0x4d: {  	_ =	shalt  }
0x4e: {  	_ =	shalt  }
0x4f: {  	_ =	shalt  }
0x50: {  	_ =	shalt  }
0x51: {  	_ =	shalt  }
0x52: {  	_ =	shalt  }
0x53: {  	_ =	shalt  }
0x54: {  	_ =	shalt  }
0x55: {  	_ =	shalt  }
0x56: {  	_ =	shalt  }
0x57: {  	_ =	shalt  }
0x58: {  	_ =	shalt  }
0x59: {  	_ =	shalt  }
0x5a: {  	_ =	shalt  }
0x5b: {  	_ =	shalt  }
0x5c: {  	_ =	shalt  }
0x5d: {  	_ =	shalt  }
0x5e: {  	_ =	shalt  }
0x5f: {  	_ =	shalt  }
0x60: {  	_ =	shalt  }
0x61: {  	_ =	shalt  }
0x62: {  	_ =	shalt  }
0x63: {  	_ =	shalt  }
0x64: {  	_ =	shalt  }
0x65: {  	_ =	shalt  }
0x66: {  	_ =	shalt  }
0x67: {  	_ =	shalt  }
0x68: {  	_ =	shalt  }
0x69: {  	_ =	shalt  }
0x6a: {  	_ =	shalt  }
0x6b: {  	_ =	shalt  }
0x6c: {  	_ =	shalt  }
0x6d: {  	_ =	shalt  }
0x6e: {  	_ =	shalt  }
0x6f: {  	_ =	shalt  }
0x70: {  	_ =	shalt  }
0x71: {  	_ =	shalt  }
0x72: {  	_ =	shalt  }
0x73: {  	_ =	shalt  }
0x74: {  	_ =	shalt  }
0x75: {  	_ =	shalt  }
0x76: {  	_ =	shalt  }
0x77: {  	_ =	shalt  }
0x78: {  	_ =	shalt  }
0x79: {  	_ =	shalt  }
0x7a: {  	_ =	shalt  }
0x7b: {  	_ =	shalt  }
0x7c: {  	_ =	shalt  }
0x7d: {  	_ =	shalt  }
0x7e: {  	_ =	shalt  }
0x7f: {  	_ =	shalt  }
0x80: {  	_ =	shalt  }
0x81: {  	_ =	shalt  }
0x82: {  	_ =	shalt  }
0x83: {  	_ =	shalt  }
0x84: {  	_ =	shalt  }
0x85: {  	_ =	shalt  }
0x86: {  	_ =	shalt  }
0x87: {  	_ =	shalt  }
.Lfunc_end0:
.L_simem_size_0:
called_computation_lowered:
.L_overlay_start_0:
0x88: {  	s2 =	sld [smem:$0x3FD9]  }
0x89: {  	s3 =	sld [smem:$0x3FFE];
	_ =	sdelay $0x1  }
0x8a: {  	s1 =	srdreg.scid  }
0x8b: {  	s0 =	sand.u32 $0x1, s1  }
0x8c: {  	s14 =	sshll.u32 s0, $0xA;
	s2 =	sadd.s32 s3, s2  }
0x8d: {  	s2 =	sadd.s32 s2, s14  }
0x8e: {  	[smem:$0x3FC0] =	sst s2  }
0x8f: {  	_ = 	snop  }
0x90: {  	s2 =	sld [smem:$0x3FD0];
	_ =	sdelay $0x2  }
0x91: {  	s15 =	simm.s32 $0xA;
	s4 =	simm.s32 $0x10  }
0x92: {  	[smem:s4], [sflag:s15] =	dma.local [hbm:s2], $0x1  }
0x93: {  	_ =	swait.eq [sflag:s15], $0x1  }
0x94: {  	[sflag:s15] =	ssyncset.done $0x0  }
0x95: {  	s16 =	sld [smem:$0x10];
	[sflag:s15] =	ssyncadd.s32 $0xFFFFFFFF  }
0x96: {  	s17 =	sld [smem:$0x11];
	(tm) =	ssettm $0x1  }
0x97: {  	s18 =	sld [smem:$0x3FFB];
	_ =	sdelay $0x3  }
0x98: {  	_ =	strace s18  }
0x99: {  	s4 =	sld [smem:$0x3FFC];
	_ =	sdelay $0x3  }
0x9a: {  	_ =	strace s4  }
0x9b: {  	s4 =	sld [smem:$0x3FFD];
	_ =	sdelay $0x3  }
0x9c: {  	_ =	strace s4  }
0x9d: {  	_ =	strace $0x8FFFFFFF  }
0x9e: {  	s19 =	sld [smem:$0x3FDB];
	_ =	sdelay $0x1  }
0x9f: {  	s5 =	simm.s32 $_scs_section_size  }
0xa0: {  	s6 =	simm.s32 $_size__tile_overlayer_lowered;
	s7 =	simm.s32 $_tile_overlayer_lowered  }
0xa1: {  	s22 =	simm.s32 $0x1BFF;
	s21 =	sshll.u32 s7, $0x1;
	s4 =	sadd.s32 s5, s19  }
0xa2: {  	s8 =	simm.s32 $0x0;
	s20 =	sshll.u32 s6, $0x1;
	s6 =	sadd.s32 s21, s4  }
0xa3: {  	[timem:s8], [sflag:s22] =	dma.local [hbm:s6], s20  }
0xa4: {  	_ =	swait.ge [sflag:s22], s20  }
0xa5: {  	s5 =	ssub.s32 $0x0, s20;
	[sflag:s22] =	ssyncset.done $0x0  }
0xa6: {  	[sflag:s22] =	ssyncadd.s32 s5;
	_ =	sdelay $0x1  }
0xa7: {  	s23 =	simm.s32 $0x1B8B  }
0xa8: {  	_ =	swait.ge [sflag:s23], $0x1  }
0xa9: {  	[sflag:s23] =	ssyncset.done $0x0  }
0xaa: {  	s25 =	simm.s32 $0x1B8E;
	s24 =	sld [smem:$0x3FFE];
	[sflag:s23] =	ssyncadd.s32 $0xFFFFFFFF  }
0xab: {  	s26 =	simm.s32 $execute0_lowered;
	[smem:$0x3FD2] =	sst s25  }
0xac: {  	s6 =	sshll.u32 s26, $0x1;
	_ =	strace $0x80000046;
	[dreg:$0x1] =	wrdreg $0xFFFFFFFF  }
0xad: {  	s28 =	simm.s32 $_size_execute0_lowered;
	s4 =	sadd.s32 s4, s6;
	[dreg:$0x0] =	wrdreg $0x0  }
0xae: {  	s6 =	sshll.u32 s28, $0x1;
	[dreg:$0x2] =	wrdreg s4  }
0xaf: {  	[dreg:$0x3] =	wrdreg s6  }
0xb0: {  	[dreg:$0x4] =	wrdreg $0xC0  }
0xb1: {  	_ =	task [dreg:s8], $0x5FFFF  }
0xb2: {  	[dreg:$0x1] =	wrdreg $0xFFFFFFFF  }
0xb3: {  	[dreg:$0x0] =	wrdreg $0x60  }
0xb4: {  	[dreg:$0x2] =	wrdreg s24  }
0xb5: {  	[dreg:$0x3] =	wrdreg s17  }
0xb6: {  	[dreg:$0x4] =	wrdreg s16  }
0xb7: {  	[dreg:$0x5] =	wrdreg $0x90000  }
0xb8: {  	[dreg:$0x6] =	wrdreg $0x9  }
0xb9: {  	_ =	task.clear_ibuf [dreg:s8], $0x7FFFF;
	_ =	strace $0x90000046  }
0xba: {  	s29 =	simm.s32 $0x9;
	_ =	strace $0x80000048  }
0xbb: {  	_ =	swait.ge [sflag:s29], $0x1  }
0xbc: {  	[sflag:s29] =	ssyncadd.s32 $0xFFFFFFFF  }
0xbd: {  	_ =	strace $0x90000048  }
0xbe: {  	_ =	sfence  }
0xbf: {  	s30 =	sld [smem:$0x0];
	_ =	sdelay $0x2  }
0xc0: {  	s31 =	sshll.u32 s1, $0xD;
	s1 =	sshrl.u32 s1, $0x2  }
0xc1: {  	s3 =	sand.u32 $0x4000, s31;
	s1 =	sadd.s32 s1, s30  }
0xc2: {  	s0 =	sor.u32 s3, s0;
	s1 =	sshll.u32 s1, $0x11  }
0xc3: {  	s0 =	sor.u32 s1, s0  }
0xc4: {  	s0 =	sadd.s32 $0x8F2B, s0  }
0xc5: {  	[sflag:s0] =	ssyncadd.remote.s32 $0x1  }
0xc6: {  	_ =	sfence.sel $0xFFFF  }
0xc7: {  	[dreg:$0x0] =	wrdreg $0xFFFFFFFF;
	(pc) =	sbr.abs _section_cstart, $3  }
0xc8: {  	[dreg:$0x1] =	wrdreg $0xFFFFFFFF  }
0xc9: {  	_ =	task.clear_ibuf [dreg:s8], $0x2FFFF;
	_ =	strace $0x9FFFFFFF  }
0xca: {  	(tm) =	ssettm $0x7FFFFFFF  }
0xcb: {  	_ =	shalt  }
tec
execute0_lowered:
.L_overlay_start_1:
0x0: {  	(tag) =	ssettag $0x1  }
0x1: {  	s6 =	rddreg [dreg:$0x0]  }
0x2: {  	s7 =	rddreg [dreg:$0x1]  }
0x3: {  	s8 =	rddreg [dreg:$0x2]  }
0x4: {  	s1 =	rddreg [dreg:$0x3]  }
0x5: {  	s2 =	srdreg.scid;
	s0 =	rddreg [dreg:$0x4];
	s3 =	simm.s32 $0x0  }
0x6: {  	s13 =	simm.s32 $0x2800;
	s14 =	simm.s32 $0x80;
	s15 =	simm.s32 $0x5000  }
0x7: {  	s16 =	simm.s32 $0x1;
	s9 =	sand.u32 $0x1, s2;
	s2 =	stileid.u32  }
0x8: {  	s17 =	simm.s32 $0x0;
	[smem:$0x7FF] =	sst s3;
	s10 =	smul.u32 $0x140000, s9  }
0x9: {  	s4 =	sadd.s32 $0x1A00, s6;
	s5 =	sadd.s32 $0x28C00, s6;
	s11 =	smul.u32 $0x14000, s2  }
0xa: {  	_ =	strace $0x80000047;
	s28 =	smul.u32 $0x50000, s2;
	s12 =	sshll.u32 s2, $0x1  }
0xb: {  	s29 =	ssub.s32 $0x2, s9;
	s31 =	sshll.u32 s2, $0x6;
	s9 =	sor.u32 s9, s12  }
0xc: {  	s30 =	sshrl.u32 s29, $0x1;
	s10 =	sadd.s32 s11, s10;
	s11 =	sshrl.u32 s28, $0x2  }
0xd: {  	s9 =	smul.u32 $0x500, s9;
	s12 =	ssub.s32 s29, s30;
	s10 =	sshrl.u32 s10, $0x3  }
0xe: {  	s11 =	sadd.s32 s11, s1;
	s10 =	sadd.s32 s10, s6;
	s6 =	sor.u32 $0x1C02, s31  }
0xf: {  	s7 =	sadd.s32 s7, s9;
	s8 =	sadd.s32 s8, s9;
	s11 =	sshrl.u32 s11, $0x3  }
0x10: {  	s9 =	sadd.s32 $0x2B400, s10;
	s10 =	smax.u32 s12, $0x1;
	s12 =	simm.s32 $0x2  }
.LBB2_1:
0x11: {  	[spmem:s11], [sflag:s6] =	dma.local [hbm:s5], $0x2800  }
0x12: {  	_ =	swait.ge [sflag:s12], $0x2800  }
0x13: {  	[sflag:s12] =	ssyncset.done $0x0  }
0x14: {  	[sflag:s12] =	ssyncadd.s32 $0xFFFFD800  }
0x15: {  	[tilespmem:s3], [sflag:$0x2] =	stream.linear.gather [hbm4b:s7+s3], $0x2780, $0x38;
	[tilespmem:$0x1D000] =	vst v63  }
0x16: {  	_ =	swait.ge [sflag:s12], $0x2780  }
0x17: {  	[sflag:s12] =	ssyncset.done $0x0  }
0x18: {  	[sflag:s12] =	ssyncadd.s32 $0xFFFFD880  }
0x19: {  	[tilespmem:s13], [sflag:$0x2] =	stream.linear.gather [hbm4b:s8+s3], $0x2780, $0x38;
	[tilespmem:$0x1D000] =	vst v63  }
0x1a: {  	_ =	swait.ge [sflag:s12], $0x2780  }
0x1b: {  	[sflag:s12] =	ssyncset.done $0x0  }
0x1c: {  	[sflag:s12] =	ssyncadd.s32 $0xFFFFD880  }
0x1d: {  	s18 =	simm.s32 $0x0;
	[bflag:$0x0] =	sbarrier.arrive $0xFFFF  }
0x1e: {  	[tilespmem:s15], [sflag:$0x1] =	stream.indirect.gather [hbm4b:s4+s14], $0x80, s18, s14, $0xb8;
	[tilespmem:$0x1D000] =	vst v63  }
0x1f: {  	_ =	swait.ge [sflag:s16], $0x4000  }
0x20: {  	[sflag:s16] =	ssyncset.done $0x0  }
0x21: {  	s31 =	simm.s32 $0x2800;
	[sflag:s16] =	ssyncadd.s32 $0xFFFFC000  }
0x22: {  	[spmem:s1] =	stream.indirect.scatter.add.f32 [tilespmem:s15], [sflag:$0x2], $0x80, s31, s14, $0xb8;
	[tilespmem:$0x1D000] =	vst v63  }
0x23: {  	_ =	swait.ge [sflag:s12], $0x4000  }
0x24: {  	s19 =	simm.s32 $0x400;
	s18 =	simm.s32 $0x200;
	[sflag:s12] =	ssyncset.done $0x0  }
.LBB2_2:
0x25: {  	s20 =	sshra.s32 s18, $0x2  }
0x26: {  	[sflag:s12] =	ssyncadd.s32 $0xFFFFC000;
	s18 =	smov.u32 s19;
	s21 =	sadd.s32 $0x200, s19  }
0x27: {  	[tilespmem:s15], [sflag:$0x1] =	stream.indirect.gather [hbm4b:s4+s14], $0x80, s20, s14, $0xb8;
	[tilespmem:$0x1D000] =	vst v63  }
0x28: {  	p0 =	sne.s32 s19, $0x9C00;
	_ =	swait.ge [sflag:s16], $0x4000  }
.Ltmp0:
0x29: {  	[sflag:s16] =	ssyncset.done $0x0;
	(pc) =	sbr.rel @p0 .LBB2_2-.Ltmp0, $4  }
0x2a: {  	s19 =	sadd.s32 $0x2800, s20;
	[sflag:s16] =	ssyncadd.s32 $0xFFFFC000  }
0x2b: {  	[spmem:s1] =	stream.indirect.scatter.add.f32 [tilespmem:s15], [sflag:$0x2], $0x80, s19, s14, $0xb8;
	[tilespmem:$0x1D000] =	vst v63  }
0x2c: {  	_ =	swait.ge [sflag:s12], $0x4000  }
0x2d: {  	s19 =	smov.u32 s21;
	[sflag:s12] =	ssyncset.done $0x0  }
0x2e: {  	s18 =	sshra.s32 s18, $0x2;
	[sflag:s12] =	ssyncadd.s32 $0xFFFFC000  }
0x2f: {  	[tilespmem:s15], [sflag:$0x1] =	stream.indirect.gather [hbm4b:s4+s14], $0x80, s18, s14, $0xb8;
	[tilespmem:$0x1D000] =	vst v63  }
0x30: {  	_ =	swait.ge [sflag:s16], $0x4000  }
0x31: {  	[sflag:s16] =	ssyncset.done $0x0  }
0x32: {  	s18 =	sadd.s32 $0x2800, s18;
	[sflag:s16] =	ssyncadd.s32 $0xFFFFC000  }
0x33: {  	[spmem:s1] =	stream.indirect.scatter.add.f32 [tilespmem:s15], [sflag:$0x2], $0x80, s18, s14, $0xb8;
	[tilespmem:$0x1D000] =	vst v63  }
0x34: {  	_ =	swait.ge [sflag:s12], $0x4000  }
0x35: {  	s17 =	sadd.s32 $0x1, s17;
	[sflag:s12] =	ssyncset.done $0x0  }
0x36: {  	p0 =	sne.s32 s17, s10;
	[sflag:s12] =	ssyncadd.s32 $0xFFFFC000  }
.Ltmp1:
0x37: {  	[bflag:$0x0] =	sbarrier.arrive $0xFFFF;
	(pc) =	sbr.rel @p0 .LBB2_1-.Ltmp1, $4  }
0x38: {  	[hbm:s9], [sflag:s6] =	dma.local [spmem:s11], $0x2800  }
0x39: {  	_ =	swait.ge [sflag:s12], $0x2800  }
0x3a: {  	[sflag:s12] =	ssyncset.done $0x0  }
0x3b: {  	[sflag:s12] =	ssyncadd.s32 $0xFFFFD800  }
0x3c: {  	_ =	sfence.sel $0x180000  }
0x3d: {  	[bflag:$0x0] =	sbarrier.arrive $0xFFFF  }
0x3e: {  	p0 =	sne.s32 s2, $0x0;
	_ =	strace $0x90000047  }
0x3f: {  	s0 =	sadd.s32 @!p0 $0x100000, s0;
	[bflag:$0x2] =	sbarrier.arrive $0xFFFF  }
0x40: {  	[sflag:s0] =	ssyncadd.tile.s32 @!p0 $0x1;
	_ =	shalt  }
.Lfunc_end2:
_tile_overlayer_lowered:
.L_overlay_start_2:
0x41: {  	(tag) =	ssettag $0x2  }
0x42: {  	s0 =	rddreg [dreg:$0x0];
	s2 =	stileid.u32  }
0x43: {  	s1 =	rddreg [dreg:$0x1];
	p0 =	sne.s32 s2, $0x0  }
0x44: {  	s3 =	rddreg [dreg:$0x2];
	[bflag:$0x3] =	sbarrier.arrive $0xFFFF;
	s2 =	simm.s32 @!p0 $0x1C02  }
0x45: {  	[timem:s3], [sflag:s2] =	dma.local @!p0 [hbm:s0], s1  }
0x46: {  	s0 =	simm.s32 @!p0 $0x2  }
0x47: {  	_ =	swait.ge @!p0 [sflag:s0], s1  }
0x48: {  	s1 =	ssub.s32 @!p0 $0x0, s1;
	[sflag:s0] =	ssyncset.done @!p0 $0x0  }
0x49: {  	[sflag:s0] =	ssyncadd.s32 @!p0 s1  }
0x4a: {  	[bflag:$0x3] =	sbarrier.arrive $0xFFFF  }
0x4b: {  	_ =	shalt  }

</sc_bundles>
